<compile_context>
chip_gen: v7x
topology: tpu7x:2x2x1
jax: 0.10.2.dev20260603
libtpu: 0.0.44.dev20260713+nightly
codegen_flags: <defaults>
</compile_context>

<pallas_src>
import functools

import jax
import jax.numpy as jnp
import numpy as np
from jax import lax
from jax.experimental import pallas as pl
from jax.experimental.pallas import tpu as pltpu
from jax.experimental.pallas import tpu_sc as plsc

N = 10000
K = 32
IN_DIM = 128
OUT_DIM = 256
MID = 64
P = 15
KP_RADIUS = 0.06
KP_EXTENT = 0.05
NEG_SLOPE = 0.1

TBL_D = 48
E = N * K

def _kernel_points_np():
    rng = np.random.RandomState(42)
    d = rng.randn(P, 3).astype(np.float32)
    d /= (np.linalg.norm(d, axis=1, keepdims=True) + 1e-9)
    r = (rng.rand(P, 1).astype(np.float32)) ** (1.0 / 3.0) * KP_RADIUS
    return (d * r).astype(np.float32)

_KP = _kernel_points_np()
_KP2T = np.ascontiguousarray(2.0 * _KP.T).astype(np.float32)
_KPSQ = np.ascontiguousarray((_KP * _KP).sum(-1)[None]).astype(np.float32)


def _leaky(x):
    return jnp.where(x >= 0, x, NEG_SLOPE * x)


def _table_body(feat_ref, pts_ref, w1_ref, b1_ref, g1_ref, be1_ref, out_ref):
    h = jnp.dot(feat_ref[...], w1_ref[...], preferred_element_type=jnp.float32)
    h = (h + b1_ref[...]) * g1_ref[...] + be1_ref[...]
    h = _leaky(h)
    lo = lax.bitcast_convert_type(
        h[:, :MID // 2].astype(jnp.bfloat16), jnp.uint16).astype(jnp.uint32)
    hi = lax.bitcast_convert_type(
        h[:, MID // 2:].astype(jnp.bfloat16), jnp.uint16).astype(jnp.uint32)
    wfeat = lo | (hi << 16)
    wpts = lax.bitcast_convert_type(pts_ref[...], jnp.uint32)
    pad = jnp.zeros((h.shape[0], TBL_D - MID // 2 - 3), jnp.uint32)
    out_ref[...] = jnp.concatenate([wfeat, wpts, pad], axis=1)


def _build_table(features, points, W1, b1, g1, be1):
    T = 2000
    grid = (N // T,)
    return pl.pallas_call(
        _table_body,
        grid=grid,
        in_specs=[
            pl.BlockSpec((T, IN_DIM), lambda i: (i, 0)),
            pl.BlockSpec((T, 3), lambda i: (i, 0)),
            pl.BlockSpec((IN_DIM, MID), lambda i: (0, 0)),
            pl.BlockSpec((1, MID), lambda i: (0, 0)),
            pl.BlockSpec((1, MID), lambda i: (0, 0)),
            pl.BlockSpec((1, MID), lambda i: (0, 0)),
        ],
        out_specs=pl.BlockSpec((T, TBL_D), lambda i: (i, 0)),
        out_shape=jax.ShapeDtypeStruct((N, TBL_D), jnp.uint32),
    )(features, points, W1, b1[None], g1[None], be1[None])


_SC_CHUNK = 2000


def _sc_gather_body(n_rows, table_hbm, idx_hbm, out_hbm, idx_v, rows_v, sem):
    nc = 2
    wid = lax.axis_index("s") * nc + lax.axis_index("c")
    per_w = n_rows // 32
    n_chunks = per_w // _SC_CHUNK

    def chunk(i, carry):
        base = wid * per_w + i * _SC_CHUNK
        pltpu.sync_copy(idx_hbm.at[pl.ds(base, _SC_CHUNK)], idx_v)
        pltpu.async_copy(table_hbm.at[idx_v], rows_v, sem).wait()
        pltpu.sync_copy(rows_v, out_hbm.at[pl.ds(base, _SC_CHUNK)])
        return carry

    lax.fori_loop(0, n_chunks, chunk, 0)


def _sc_gather(table, flat_idx):
    n_rows = flat_idx.shape[0]
    mesh = plsc.VectorSubcoreMesh(core_axis_name="c", subcore_axis_name="s")
    fn = pl.kernel(
        functools.partial(_sc_gather_body, n_rows),
        out_type=jax.ShapeDtypeStruct((n_rows, TBL_D), jnp.uint32),
        mesh=mesh,
        scratch_types=[
            pltpu.VMEM((_SC_CHUNK,), jnp.int32),
            pltpu.VMEM((_SC_CHUNK, TBL_D), jnp.uint32),
            pltpu.SemaphoreType.DMA,
        ],
        compiler_params=pltpu.CompilerParams(use_tc_tiling_on_sc=False),
    )
    return fn(table, flat_idx)


def _main_body(g_ref, pts_ref, feat_ref, kp2t_ref, kpsq_ref, wk_ref,
               w2_ref, b2_ref, g2_ref, be2_ref,
               ws_ref, bs_ref, gs_ref, bes_ref, out_ref):
    T = pts_ref.shape[0]
    g = g_ref[...]
    wf = g[:, :MID // 2]
    lo = lax.bitcast_convert_type((wf & 0xFFFF).astype(jnp.uint16),
                                  jnp.bfloat16)
    hi = lax.bitcast_convert_type((wf >> 16).astype(jnp.uint16),
                                  jnp.bfloat16)
    nf = jnp.concatenate([lo, hi], axis=1)
    npts = lax.bitcast_convert_type(g[:, MID // 2:MID // 2 + 3],
                                    jnp.float32)

    pts = pts_ref[...]
    rel = (npts.reshape(T, K, 3) - pts[:, None, :]).reshape(T * K, 3)
    r2m = jnp.dot(rel * rel, jnp.ones((3, P), jnp.float32),
                  preferred_element_type=jnp.float32)
    dots = jnp.dot(rel, kp2t_ref[...],
                   preferred_element_type=jnp.float32)
    d2 = jnp.maximum(r2m - dots + kpsq_ref[...], 0.0)
    dist = jnp.sqrt(d2 + 1e-12)
    w = jnp.maximum(1.0 - dist * (1.0 / KP_EXTENT), 0.0)

    w3 = w.astype(jnp.bfloat16).reshape(T, K, P)
    nf3 = nf.reshape(T, K, MID)
    z = lax.dot_general(w3, nf3, (((1,), (1,)), ((0,), (0,))),
                        preferred_element_type=jnp.float32)
    acc = jnp.dot(z.reshape(T, P * MID), wk_ref[...],
                  preferred_element_type=jnp.float32)

    h = _leaky(acc)
    h = jnp.dot(h, w2_ref[...], preferred_element_type=jnp.float32)
    h = _leaky((h + b2_ref[...]) * g2_ref[...] + be2_ref[...])

    sc = jnp.dot(feat_ref[...], ws_ref[...], preferred_element_type=jnp.float32)
    sc = _leaky((sc + bs_ref[...]) * gs_ref[...] + bes_ref[...])

    out_ref[...] = _leaky(h + sc)


def _main(gathered, points, features, Wk, W2, b2, g2, be2, Ws, bs, gs, bes):
    n = points.shape[0]
    T = 400 if n % 400 == 0 else 200
    grid = (n // T,)
    return pl.pallas_call(
        _main_body,
        grid=grid,
        in_specs=[
            pl.BlockSpec((T * K, TBL_D), lambda i: (i, 0)),
            pl.BlockSpec((T, 3), lambda i: (i, 0)),
            pl.BlockSpec((T, IN_DIM), lambda i: (i, 0)),
            pl.BlockSpec((3, P), lambda i: (0, 0)),
            pl.BlockSpec((1, P), lambda i: (0, 0)),
            pl.BlockSpec((P * MID, MID), lambda i: (0, 0)),
            pl.BlockSpec((MID, OUT_DIM), lambda i: (0, 0)),
            pl.BlockSpec((1, OUT_DIM), lambda i: (0, 0)),
            pl.BlockSpec((1, OUT_DIM), lambda i: (0, 0)),
            pl.BlockSpec((1, OUT_DIM), lambda i: (0, 0)),
            pl.BlockSpec((IN_DIM, OUT_DIM), lambda i: (0, 0)),
            pl.BlockSpec((1, OUT_DIM), lambda i: (0, 0)),
            pl.BlockSpec((1, OUT_DIM), lambda i: (0, 0)),
            pl.BlockSpec((1, OUT_DIM), lambda i: (0, 0)),
        ],
        out_specs=pl.BlockSpec((T, OUT_DIM), lambda i: (i, 0)),
        out_shape=jax.ShapeDtypeStruct((n, OUT_DIM), jnp.float32),
    )(gathered, points, features, _KP2T, _KPSQ, Wk.reshape(P * MID, MID),
      W2, b2[None], g2[None], be2[None],
      Ws, bs[None], gs[None], bes[None])


def kernel(points, features, neighbor_idx, W1, b1, g1, be1, Wk, W2, b2, g2,
           be2, Ws, bs, gs, bes):
    table = _build_table(features, points, W1, b1, g1, be1)
    gathered = _sc_gather(table, neighbor_idx.reshape(-1))
    return _main(gathered, points, features, Wk, W2, b2, g2, be2,
                 Ws, bs, gs, bes)

# --- scband reference (transcript-rebuilt; emitter-appended) ---
"""Pipeline reference for scband-res-block-b-90503550861386 (READ-ONLY COPY).

The authoritative reference and input builder live on the scoring server;
editing this copy changes nothing except your own understanding.
"""

import jax, jax.numpy as jnp
import numpy as np

N = 10000
K = 32
IN_DIM = 128
OUT_DIM = 256
MID = OUT_DIM // 4
P = 15
KP_RADIUS = 0.06
KP_EXTENT = 0.05
NEG_SLOPE = 0.1


def _kernel_points():
    rng = np.random.RandomState(42)
    d = rng.randn(P, 3).astype(np.float32)
    d /= (np.linalg.norm(d, axis=1, keepdims=True) + 1e-9)
    r = (rng.rand(P, 1).astype(np.float32)) ** (1.0 / 3.0) * KP_RADIUS
    return jnp.asarray(d * r)

KERNEL_POINTS = _kernel_points()


def _leaky(x):
    return jnp.where(x >= 0, x, NEG_SLOPE * x)


def _conv1d(x, W, b, g, be):
    # Conv1D kernel-size-1 == linear; BatchNorm in inference mode with
    # running_mean=0, running_var=1 reduces to per-channel affine.
    y = x @ W + b
    y = y * g + be
    return _leaky(y)


def _kpconv(points, feats, neighbor_idx, Wk):
    npts = points[neighbor_idx]                 # [N,K,3] gather
    rel = npts - points[:, None, :]             # [N,K,3]
    diff = rel[:, :, None, :] - KERNEL_POINTS[None, None, :, :]  # [N,K,P,3]
    dist = jnp.sqrt(jnp.sum(diff * diff, axis=-1) + 1e-12)       # [N,K,P]
    w = jnp.clip(1.0 - dist / KP_EXTENT, 0.0, None)              # linear correlation
    nf = feats[neighbor_idx]                    # [N,K,MID] gather
    agg = jnp.einsum('nkp,nkc->npc', w, nf)     # [N,P,MID]
    return jnp.einsum('npc,pcd->nd', agg, Wk)   # [N,MID]


def setup_inputs(seed: int = 0):
    key = jax.random.key(seed)
    ks = jax.random.split(key, 8)
    return {
        'points': jax.random.uniform(ks[0], (N, 3), dtype=jnp.float32),
        'features': jax.random.normal(ks[1], (N, IN_DIM), dtype=jnp.float32),
        'neighbor_idx': jax.random.randint(ks[2], (N, K), 0, N, dtype=jnp.int32),
        'W1': jax.random.normal(ks[3], (IN_DIM, MID), dtype=jnp.float32) * 0.05,
        'b1': jnp.zeros((MID,), jnp.float32),
        'g1': jnp.ones((MID,), jnp.float32),
        'be1': jnp.zeros((MID,), jnp.float32),
        'Wk': jax.random.normal(ks[4], (P, MID, MID), dtype=jnp.float32) * 0.05,
        'W2': jax.random.normal(ks[5], (MID, OUT_DIM), dtype=jnp.float32) * 0.05,
        'b2': jnp.zeros((OUT_DIM,), jnp.float32),
        'g2': jnp.ones((OUT_DIM,), jnp.float32),
        'be2': jnp.zeros((OUT_DIM,), jnp.float32),
        'Ws': jax.random.normal(ks[6], (IN_DIM, OUT_DIM), dtype=jnp.float32) * 0.05,
        'bs': jnp.zeros((OUT_DIM,), jnp.float32),
        'gs': jnp.ones((OUT_DIM,), jnp.float32),
        'bes': jnp.zeros((OUT_DIM,), jnp.float32),
    }


def reference(points, features, neighbor_idx, W1, b1, g1, be1, Wk, W2, b2, g2, be2, Ws, bs, gs, bes):
    # main branch: Conv1D -> KPConvNeighbors -> leaky -> Conv1D
    h = _conv1d(features, W1, b1, g1, be1)
    h = _kpconv(points, h, neighbor_idx, Wk)
    h = _leaky(h)
    h = _conv1d(h, W2, b2, g2, be2)
    # shortcut branch: Conv1D
    sc = _conv1d(features, Ws, bs, gs, bes)
    # residual add + final leaky relu
    return _leaky(h + sc)

if __name__ == "__main__":
    import jax
    _d = setup_inputs()
    print(jax.jit(kernel)(*tuple(_d.values())))

</pallas_src>

<mosaic_0001>
#map = affine_map<(d0, d1) -> (0, 0)>
#map1 = affine_map<(d0, d1) -> (0)>
module attributes {stable_mosaic.version = 14 : i64} {
  func.func @_sc_gather_body(%arg0: i32, %arg1: i32, %arg2: memref<10000x48xi32, #tpu.memory_space<hbm>>, %arg3: memref<320000xi32, #tpu.memory_space<hbm>>, %arg4: memref<320000x48xi32, #tpu.memory_space<hbm>>, %arg5: memref<2000xi32, #tpu.memory_space<vmem>>, %arg6: memref<2000x48xi32, #tpu.memory_space<vmem>>, %arg7: memref<!tpu.dma_semaphore, #tpu.memory_space<semaphore_mem>>) attributes {dimension_semantics = [#tpu.dimension_semantics<core_parallel>, #tpu.dimension_semantics<subcore_parallel>], iteration_bounds = array<i64: 2, 16>, scalar_prefetch = 0 : i64, scratch_operands = 3 : i64, tpu.core_type = #tpu.core_type<sc_vector_subcore>, window_params = [{transform_indices = #map}, {transform_indices = #map1}, {transform_indices = #map}]} {
    %mul3A = arith.constant 2 : i32
    %mul3A_0 = arith.muli %arg1, %mul3A : i32
    %add3A = arith.addi %mul3A_0, %arg0 : i32
    %scan3A = arith.constant 0 : i32
    %scan3A_1 = arith.constant 0 : i32
    %scan3A_2 = arith.constant 5 : i32
    %scan3A_3 = arith.addi %scan3A_1, %scan3A_2 : i32
    %scan3A_4 = arith.constant 1 : i32
    scf.for %scan3A_6 = %scan3A_1 to %scan3A_3 step %scan3A_4  : i32 {
      %mul3A_7 = arith.constant 10000 : i32
      %mul3A_8 = arith.muli %add3A, %mul3A_7 : i32
      %mul3A_9 = arith.constant 2000 : i32
      %mul3A_10 = arith.muli %scan3A_6, %mul3A_9 : i32
      %add3A_11 = arith.addi %mul3A_8, %mul3A_10 : i32
      "tpu.region"() ({
        %run_scoped3A = tpu.sem_alloc : memref<!tpu.dma_semaphore, #tpu.memory_space<semaphore_mem>>
        %dma_start3A_16 = tpu.memref_slice %arg3[%add3A_11] : memref<320000xi32, #tpu.memory_space<hbm>> -> memref<2000xi32, #tpu.memory_space<hbm>>
        %dma_start3A_17 = tpu.memref_slice %arg3[%add3A_11] : memref<320000xi32, #tpu.memory_space<hbm>> -> memref<2000xi32, #tpu.memory_space<hbm>>
        tpu.enqueue_dma source(%dma_start3A_17 : memref<2000xi32, #tpu.memory_space<hbm>>) target(%arg5 : memref<2000xi32, #tpu.memory_space<vmem>>) target_semaphore(%run_scoped3A : memref<!tpu.dma_semaphore, #tpu.memory_space<semaphore_mem>>)
        %dma_wait3A_18 = tpu.memref_slice %arg3[%add3A_11] : memref<320000xi32, #tpu.memory_space<hbm>> -> memref<2000xi32, #tpu.memory_space<hbm>>
        %dma_wait3A_19 = tpu.memref_slice %arg3[%add3A_11] : memref<320000xi32, #tpu.memory_space<hbm>> -> memref<2000xi32, #tpu.memory_space<hbm>>
        tpu.wait_dma2 semaphore(%run_scoped3A : memref<!tpu.dma_semaphore, #tpu.memory_space<semaphore_mem>>) src(%dma_wait3A_19 : memref<2000xi32, #tpu.memory_space<hbm>>) dst(%arg5 : memref<2000xi32, #tpu.memory_space<vmem>>)
        tpu.yield
      }) : () -> ()
      %dma_start3A = arith.constant 0 : i32
      %dma_start3A_12 = arith.constant 0 : i32
      %dma_start3A_13 = tpu.memref_slice %arg2[%dma_start3A, %dma_start3A_12] : memref<10000x48xi32, #tpu.memory_space<hbm>> -> memref<10000x48xi32, #tpu.memory_space<hbm>>
      tpu.enqueue_indirect_dma source(%dma_start3A_13 : memref<10000x48xi32, #tpu.memory_space<hbm>>) target(%arg6 : memref<2000x48xi32, #tpu.memory_space<vmem>>) offsets(%arg5 : memref<2000xi32, #tpu.memory_space<vmem>>) semaphore(%arg7 : memref<!tpu.dma_semaphore, #tpu.memory_space<semaphore_mem>>)
      %dma_wait3A = arith.constant 0 : i32
      %dma_wait3A_14 = arith.constant 0 : i32
      %dma_wait3A_15 = tpu.memref_slice %arg2[%dma_wait3A, %dma_wait3A_14] : memref<10000x48xi32, #tpu.memory_space<hbm>> -> memref<10000x48xi32, #tpu.memory_space<hbm>>
      tpu.wait_indirect_dma semaphore(%arg7 : memref<!tpu.dma_semaphore, #tpu.memory_space<semaphore_mem>>) src(%dma_wait3A_15 : memref<10000x48xi32, #tpu.memory_space<hbm>>) dst(%arg6 : memref<2000x48xi32, #tpu.memory_space<vmem>>)
      "tpu.region"() ({
        %run_scoped3A = tpu.sem_alloc : memref<!tpu.dma_semaphore, #tpu.memory_space<semaphore_mem>>
        %dma_start3A_16 = arith.constant 0 : i32
        %dma_start3A_17 = tpu.memref_slice %arg4[%add3A_11, %dma_start3A_16] : memref<320000x48xi32, #tpu.memory_space<hbm>> -> memref<2000x48xi32, #tpu.memory_space<hbm>>
        %dma_start3A_18 = arith.constant 0 : i32
        %dma_start3A_19 = tpu.memref_slice %arg4[%add3A_11, %dma_start3A_18] : memref<320000x48xi32, #tpu.memory_space<hbm>> -> memref<2000x48xi32, #tpu.memory_space<hbm>>
        tpu.enqueue_dma source(%arg6 : memref<2000x48xi32, #tpu.memory_space<vmem>>) target(%dma_start3A_19 : memref<2000x48xi32, #tpu.memory_space<hbm>>) target_semaphore(%run_scoped3A : memref<!tpu.dma_semaphore, #tpu.memory_space<semaphore_mem>>)
        %dma_wait3A_20 = arith.constant 0 : i32
        %dma_wait3A_21 = tpu.memref_slice %arg4[%add3A_11, %dma_wait3A_20] : memref<320000x48xi32, #tpu.memory_space<hbm>> -> memref<2000x48xi32, #tpu.memory_space<hbm>>
        %dma_wait3A_22 = arith.constant 0 : i32
        %dma_wait3A_23 = tpu.memref_slice %arg4[%add3A_11, %dma_wait3A_22] : memref<320000x48xi32, #tpu.memory_space<hbm>> -> memref<2000x48xi32, #tpu.memory_space<hbm>>
        tpu.wait_dma2 semaphore(%run_scoped3A : memref<!tpu.dma_semaphore, #tpu.memory_space<semaphore_mem>>) src(%arg6 : memref<2000x48xi32, #tpu.memory_space<vmem>>) dst(%dma_wait3A_23 : memref<2000x48xi32, #tpu.memory_space<hbm>>)
        tpu.yield
      }) : () -> ()
    }
    %scan3A_5 = arith.constant 5 : i32
    return
  }
}

module attributes {stable_mosaic.version = 14 : i64} {
  func.func @_table_body(%arg0: i32, %arg1: memref<2000x128xf32, #tpu.memory_space<vmem>>, %arg2: memref<2000x3xf32, #tpu.memory_space<vmem>>, %arg3: memref<128x64xf32, #tpu.memory_space<vmem>>, %arg4: memref<1x64xf32, #tpu.memory_space<vmem>>, %arg5: memref<1x64xf32, #tpu.memory_space<vmem>>, %arg6: memref<1x64xf32, #tpu.memory_space<vmem>>, %arg7: memref<2000x48xi32, #tpu.memory_space<vmem>>) attributes {dimension_semantics = [#tpu.dimension_semantics<arbitrary>], iteration_bounds = array<i64: 5>, scalar_prefetch = 0 : i64, scratch_operands = 0 : i64, tpu.core_type = #tpu.core_type<tc>, window_params = [{transform_indices = @transform_0, window_bounds = array<i64: 2000, 128>}, {transform_indices = @transform_1, window_bounds = array<i64: 2000, 3>}, {pipeline_mode = #tpu.pipeline_mode<synchronous>, transform_indices = @transform_2, window_bounds = array<i64: 128, 64>}, {pipeline_mode = #tpu.pipeline_mode<synchronous>, transform_indices = @transform_3, window_bounds = array<i64: 1, 64>}, {pipeline_mode = #tpu.pipeline_mode<synchronous>, transform_indices = @transform_4, window_bounds = array<i64: 1, 64>}, {pipeline_mode = #tpu.pipeline_mode<synchronous>, transform_indices = @transform_5, window_bounds = array<i64: 1, 64>}, {transform_indices = @transform_6, window_bounds = array<i64: 2000, 48>}]} {
    %get3A = arith.constant 0 : index
    %get3A_0 = arith.constant 0 : index
    %get3A_1 = vector.load %arg1[%get3A, %get3A_0] : memref<2000x128xf32, #tpu.memory_space<vmem>>, vector<2000x128xf32>
    %get3A_2 = arith.constant 0 : index
    %get3A_3 = arith.constant 0 : index
    %get3A_4 = vector.load %arg3[%get3A_2, %get3A_3] : memref<128x64xf32, #tpu.memory_space<vmem>>, vector<128x64xf32>
    %dot_general3A = arith.constant dense<0.000000e+00> : vector<2000x64xf32>
    %dot_general3A_5 = tpu.matmul %get3A_1, %get3A_4, %dot_general3A {dimension_numbers = #tpu.dot_dimension_numbers<[1], [0], [0], [1], [0, 0, 1, 1], [], []>, transpose_lhs_hint = false} : vector<2000x128xf32>, vector<128x64xf32>, vector<2000x64xf32> -> vector<2000x64xf32>
    %get3A_6 = arith.constant 0 : index
    %get3A_7 = arith.constant 0 : index
    %get3A_8 = vector.load %arg4[%get3A_6, %get3A_7] : memref<1x64xf32, #tpu.memory_space<vmem>>, vector<1x64xf32>
    %add3A = vector.broadcast %get3A_8 : vector<1x64xf32> to vector<2000x64xf32>
    %add3A_9 = arith.addf %dot_general3A_5, %add3A : vector<2000x64xf32>
    %get3A_10 = arith.constant 0 : index
    %get3A_11 = arith.constant 0 : index
    %get3A_12 = vector.load %arg5[%get3A_10, %get3A_11] : memref<1x64xf32, #tpu.memory_space<vmem>>, vector<1x64xf32>
    %mul3A = vector.broadcast %get3A_12 : vector<1x64xf32> to vector<2000x64xf32>
    %mul3A_13 = arith.mulf %add3A_9, %mul3A : vector<2000x64xf32>
    %get3A_14 = arith.constant 0 : index
    %get3A_15 = arith.constant 0 : index
    %get3A_16 = vector.load %arg6[%get3A_14, %get3A_15] : memref<1x64xf32, #tpu.memory_space<vmem>>, vector<1x64xf32>
    %add3A_17 = vector.broadcast %get3A_16 : vector<1x64xf32> to vector<2000x64xf32>
    %add3A_18 = arith.addf %mul3A_13, %add3A_17 : vector<2000x64xf32>
    %ge3A = arith.constant 0.000000e+00 : f32
    %ge3A_19 = vector.broadcast %ge3A : f32 to vector<2000x64xf32>
    %ge3A_20 = arith.cmpf oge, %add3A_18, %ge3A_19 : vector<2000x64xf32>
    %mul3A_21 = arith.constant 1.000000e-01 : f32
    %mul3A_22 = vector.broadcast %mul3A_21 : f32 to vector<2000x64xf32>
    %mul3A_23 = arith.mulf %mul3A_22, %add3A_18 : vector<2000x64xf32>
    %select_n3A = arith.select %ge3A_20, %add3A_18, %mul3A_23 : vector<2000x64xi1>, vector<2000x64xf32>
    %slice3A = vector.extract_strided_slice %select_n3A {offsets = [0, 0], sizes = [2000, 32], strides = [1, 1]} : vector<2000x64xf32> to vector<2000x32xf32>
    %convert_element_type3A = arith.truncf %slice3A : vector<2000x32xf32> to vector<2000x32xbf16>
    %bitcast_convert_type3A = tpu.bitcast %convert_element_type3A : vector<2000x32xbf16> -> vector<2000x32xi16>
    %convert_element_type3A_24 = arith.extui %bitcast_convert_type3A : vector<2000x32xi16> to vector<2000x32xi32>
    %slice3A_25 = vector.extract_strided_slice %select_n3A {offsets = [0, 32], sizes = [2000, 32], strides = [1, 1]} : vector<2000x64xf32> to vector<2000x32xf32>
    %convert_element_type3A_26 = arith.truncf %slice3A_25 : vector<2000x32xf32> to vector<2000x32xbf16>
    %bitcast_convert_type3A_27 = tpu.bitcast %convert_element_type3A_26 : vector<2000x32xbf16> -> vector<2000x32xi16>
    %convert_element_type3A_28 = arith.extui %bitcast_convert_type3A_27 : vector<2000x32xi16> to vector<2000x32xi32>
    %shift_left3A = arith.constant 16 : i32
    %shift_left3A_29 = vector.broadcast %shift_left3A : i32 to vector<2000x32xi32>
    %shift_left3A_30 = arith.shli %convert_element_type3A_28, %shift_left3A_29 : vector<2000x32xi32>
    %or3A = arith.ori %convert_element_type3A_24, %shift_left3A_30 : vector<2000x32xi32>
    %get3A_31 = arith.constant 0 : index
    %get3A_32 = arith.constant 0 : index
    %get3A_33 = vector.load %arg2[%get3A_31, %get3A_32] : memref<2000x3xf32, #tpu.memory_space<vmem>>, vector<2000x3xf32>
    %bitcast_convert_type3A_34 = tpu.bitcast %get3A_33 : vector<2000x3xf32> -> vector<2000x3xi32>
    %broadcast_in_dim3A = arith.constant 0 : i32
    %broadcast_in_dim3A_35 = vector.broadcast %broadcast_in_dim3A : i32 to vector<2000x13xi32>
    %concatenate3A = tpu.concatenate %or3A, %bitcast_convert_type3A_34, %broadcast_in_dim3A_35 in 1 : vector<2000x32xi32>, vector<2000x3xi32>, vector<2000x13xi32> -> vector<2000x48xi32>
    %swap3A = arith.constant 0 : index
    %swap3A_36 = arith.constant 0 : index
    %swap3A_37 = vector.load %arg7[%swap3A, %swap3A_36] : memref<2000x48xi32, #tpu.memory_space<vmem>>, vector<2000x48xi32>
    tpu.vector_store %arg7[%swap3A, %swap3A_36], %concatenate3A {strides = array<i32>} : memref<2000x48xi32, #tpu.memory_space<vmem>>, vector<2000x48xi32>,
    return
  }
  func.func @transform_0(%arg0: i32) -> (i32, i32) {
    %c0_i32 = arith.constant 0 : i32
    %c0_i32_0 = arith.constant 0 : i32
    return %arg0, %c0_i32 : i32, i32
  }
  func.func @transform_1(%arg0: i32) -> (i32, i32) {
    %c0_i32 = arith.constant 0 : i32
    %c0_i32_0 = arith.constant 0 : i32
    return %arg0, %c0_i32 : i32, i32
  }
  func.func @transform_2(%arg0: i32) -> (i32, i32) {
    %c0_i32 = arith.constant 0 : i32
    %c0_i32_0 = arith.constant 0 : i32
    %c0_i32_1 = arith.constant 0 : i32
    return %c0_i32, %c0_i32_0 : i32, i32
  }
  func.func @transform_3(%arg0: i32) -> (i32, i32) {
    %c0_i32 = arith.constant 0 : i32
    %c0_i32_0 = arith.constant 0 : i32
    %c0_i32_1 = arith.constant 0 : i32
    return %c0_i32, %c0_i32_0 : i32, i32
  }
  func.func @transform_4(%arg0: i32) -> (i32, i32) {
    %c0_i32 = arith.constant 0 : i32
    %c0_i32_0 = arith.constant 0 : i32
    %c0_i32_1 = arith.constant 0 : i32
    return %c0_i32, %c0_i32_0 : i32, i32
  }
  func.func @transform_5(%arg0: i32) -> (i32, i32) {
    %c0_i32 = arith.constant 0 : i32
    %c0_i32_0 = arith.constant 0 : i32
    %c0_i32_1 = arith.constant 0 : i32
    return %c0_i32, %c0_i32_0 : i32, i32
  }
  func.func @transform_6(%arg0: i32) -> (i32, i32) {
    %c0_i32 = arith.constant 0 : i32
    %c0_i32_0 = arith.constant 0 : i32
    return %arg0, %c0_i32 : i32, i32
  }
}

module attributes {stable_mosaic.version = 14 : i64} {
  func.func @_main_body(%arg0: i32, %arg1: memref<12800x48xi32, #tpu.memory_space<vmem>>, %arg2: memref<400x3xf32, #tpu.memory_space<vmem>>, %arg3: memref<400x128xf32, #tpu.memory_space<vmem>>, %arg4: memref<3x15xf32, #tpu.memory_space<vmem>>, %arg5: memref<1x15xf32, #tpu.memory_space<vmem>>, %arg6: memref<960x64xf32, #tpu.memory_space<vmem>>, %arg7: memref<64x256xf32, #tpu.memory_space<vmem>>, %arg8: memref<1x256xf32, #tpu.memory_space<vmem>>, %arg9: memref<1x256xf32, #tpu.memory_space<vmem>>, %arg10: memref<1x256xf32, #tpu.memory_space<vmem>>, %arg11: memref<128x256xf32, #tpu.memory_space<vmem>>, %arg12: memref<1x256xf32, #tpu.memory_space<vmem>>, %arg13: memref<1x256xf32, #tpu.memory_space<vmem>>, %arg14: memref<1x256xf32, #tpu.memory_space<vmem>>, %arg15: memref<400x256xf32, #tpu.memory_space<vmem>>) attributes {dimension_semantics = [#tpu.dimension_semantics<arbitrary>], iteration_bounds = array<i64: 25>, scalar_prefetch = 0 : i64, scratch_operands = 0 : i64, tpu.core_type = #tpu.core_type<tc>, window_params = [{transform_indices = @transform_0, window_bounds = array<i64: 12800, 48>}, {transform_indices = @transform_1, window_bounds = array<i64: 400, 3>}, {transform_indices = @transform_2, window_bounds = array<i64: 400, 128>}, {pipeline_mode = #tpu.pipeline_mode<synchronous>, transform_indices = @transform_3, window_bounds = array<i64: 3, 15>}, {pipeline_mode = #tpu.pipeline_mode<synchronous>, transform_indices = @transform_4, window_bounds = array<i64: 1, 15>}, {pipeline_mode = #tpu.pipeline_mode<synchronous>, transform_indices = @transform_5, window_bounds = array<i64: 960, 64>}, {pipeline_mode = #tpu.pipeline_mode<synchronous>, transform_indices = @transform_6, window_bounds = array<i64: 64, 256>}, {pipeline_mode = #tpu.pipeline_mode<synchronous>, transform_indices = @transform_7, window_bounds = array<i64: 1, 256>}, {pipeline_mode = #tpu.pipeline_mode<synchronous>, transform_indices = @transform_8, window_bounds = array<i64: 1, 256>}, {pipeline_mode = #tpu.pipeline_mode<synchronous>, transform_indices = @transform_9, window_bounds = array<i64: 1, 256>}, {pipeline_mode = #tpu.pipeline_mode<synchronous>, transform_indices = @transform_10, window_bounds = array<i64: 128, 256>}, {pipeline_mode = #tpu.pipeline_mode<synchronous>, transform_indices = @transform_11, window_bounds = array<i64: 1, 256>}, {pipeline_mode = #tpu.pipeline_mode<synchronous>, transform_indices = @transform_12, window_bounds = array<i64: 1, 256>}, {pipeline_mode = #tpu.pipeline_mode<synchronous>, transform_indices = @transform_13, window_bounds = array<i64: 1, 256>}, {transform_indices = @transform_14, window_bounds = array<i64: 400, 256>}]} {
    %get3A = arith.constant 0 : index
    %get3A_0 = arith.constant 0 : index
    %get3A_1 = vector.load %arg1[%get3A, %get3A_0] : memref<12800x48xi32, #tpu.memory_space<vmem>>, vector<12800x48xi32>
    %slice3A = vector.extract_strided_slice %get3A_1 {offsets = [0, 0], sizes = [12800, 32], strides = [1, 1]} : vector<12800x48xi32> to vector<12800x32xi32>
    %and3A = arith.constant 65535 : i32
    %and3A_2 = vector.broadcast %and3A : i32 to vector<12800x32xi32>
    %and3A_3 = arith.andi %slice3A, %and3A_2 : vector<12800x32xi32>
    %convert_element_type3A = arith.trunci %and3A_3 : vector<12800x32xi32> to vector<12800x32xi16>
    %bitcast_convert_type3A = tpu.bitcast %convert_element_type3A : vector<12800x32xi16> -> vector<12800x32xbf16>
    %shift_right_logical3A = arith.constant 16 : i32
    %shift_right_logical3A_4 = vector.broadcast %shift_right_logical3A : i32 to vector<12800x32xi32>
    %shift_right_logical3A_5 = arith.shrui %slice3A, %shift_right_logical3A_4 : vector<12800x32xi32>
    %convert_element_type3A_6 = arith.trunci %shift_right_logical3A_5 : vector<12800x32xi32> to vector<12800x32xi16>
    %bitcast_convert_type3A_7 = tpu.bitcast %convert_element_type3A_6 : vector<12800x32xi16> -> vector<12800x32xbf16>
    %concatenate3A = tpu.concatenate %bitcast_convert_type3A, %bitcast_convert_type3A_7 in 1 : vector<12800x32xbf16>, vector<12800x32xbf16> -> vector<12800x64xbf16>
    %slice3A_8 = vector.extract_strided_slice %get3A_1 {offsets = [0, 32], sizes = [12800, 3], strides = [1, 1]} : vector<12800x48xi32> to vector<12800x3xi32>
    %bitcast_convert_type3A_9 = tpu.bitcast %slice3A_8 : vector<12800x3xi32> -> vector<12800x3xf32>
    %get3A_10 = arith.constant 0 : index
    %get3A_11 = arith.constant 0 : index
    %get3A_12 = vector.load %arg2[%get3A_10, %get3A_11] : memref<400x3xf32, #tpu.memory_space<vmem>>, vector<400x3xf32>
    %reshape3A = vector.shape_cast %bitcast_convert_type3A_9 : vector<12800x3xf32> to vector<400x32x3xf32>
    %broadcast_in_dim3A = vector.shape_cast %get3A_12 : vector<400x3xf32> to vector<400x1x3xf32>
    %sub3A = vector.broadcast %broadcast_in_dim3A : vector<400x1x3xf32> to vector<400x32x3xf32>
    %sub3A_13 = arith.subf %reshape3A, %sub3A : vector<400x32x3xf32>
    %reshape3A_14 = vector.shape_cast %sub3A_13 : vector<400x32x3xf32> to vector<12800x3xf32>
    %mul3A = arith.mulf %reshape3A_14, %reshape3A_14 : vector<12800x3xf32>
    %broadcast_in_dim3A_15 = arith.constant 1.000000e+00 : f32
    %broadcast_in_dim3A_16 = vector.broadcast %broadcast_in_dim3A_15 : f32 to vector<3x15xf32>
    %dot_general3A = arith.constant dense<0.000000e+00> : vector<12800x15xf32>
    %dot_general3A_17 = tpu.matmul %mul3A, %broadcast_in_dim3A_16, %dot_general3A {dimension_numbers = #tpu.dot_dimension_numbers<[1], [0], [0], [1], [0, 0, 1, 1], [], []>, transpose_lhs_hint = false} : vector<12800x3xf32>, vector<3x15xf32>, vector<12800x15xf32> -> vector<12800x15xf32>
    %get3A_18 = arith.constant 0 : index
    %get3A_19 = arith.constant 0 : index
    %get3A_20 = vector.load %arg4[%get3A_18, %get3A_19] : memref<3x15xf32, #tpu.memory_space<vmem>>, vector<3x15xf32>
    %dot_general3A_21 = arith.constant dense<0.000000e+00> : vector<12800x15xf32>
    %dot_general3A_22 = tpu.matmul %reshape3A_14, %get3A_20, %dot_general3A_21 {dimension_numbers = #tpu.dot_dimension_numbers<[1], [0], [0], [1], [0, 0, 1, 1], [], []>, transpose_lhs_hint = false} : vector<12800x3xf32>, vector<3x15xf32>, vector<12800x15xf32> -> vector<12800x15xf32>
    %sub3A_23 = arith.subf %dot_general3A_17, %dot_general3A_22 : vector<12800x15xf32>
    %get3A_24 = arith.constant 0 : index
    %get3A_25 = arith.constant 0 : index
    %get3A_26 = vector.load %arg5[%get3A_24, %get3A_25] : memref<1x15xf32, #tpu.memory_space<vmem>>, vector<1x15xf32>
    %add3A = vector.broadcast %get3A_26 : vector<1x15xf32> to vector<12800x15xf32>
    %add3A_27 = arith.addf %sub3A_23, %add3A : vector<12800x15xf32>
    %max3A = arith.constant 0.000000e+00 : f32
    %max3A_28 = vector.broadcast %max3A : f32 to vector<12800x15xf32>
    %max3A_29 = arith.maximumf %add3A_27, %max3A_28 : vector<12800x15xf32>
    %add3A_30 = arith.constant 9.99999996E-13 : f32
    %add3A_31 = vector.broadcast %add3A_30 : f32 to vector<12800x15xf32>
    %add3A_32 = arith.addf %max3A_29, %add3A_31 : vector<12800x15xf32>
    %sqrt3A = math.sqrt %add3A_32 : vector<12800x15xf32>
    %mul3A_33 = arith.constant 2.000000e+01 : f32
    %mul3A_34 = vector.broadcast %mul3A_33 : f32 to vector<12800x15xf32>
    %mul3A_35 = arith.mulf %sqrt3A, %mul3A_34 : vector<12800x15xf32>
    %sub3A_36 = arith.constant 1.000000e+00 : f32
    %sub3A_37 = vector.broadcast %sub3A_36 : f32 to vector<12800x15xf32>
    %sub3A_38 = arith.subf %sub3A_37, %mul3A_35 : vector<12800x15xf32>
    %max3A_39 = arith.constant 0.000000e+00 : f32
    %max3A_40 = vector.broadcast %max3A_39 : f32 to vector<12800x15xf32>
    %max3A_41 = arith.maximumf %sub3A_38, %max3A_40 : vector<12800x15xf32>
    %convert_element_type3A_42 = arith.truncf %max3A_41 : vector<12800x15xf32> to vector<12800x15xbf16>
    %reshape3A_43 = vector.shape_cast %convert_element_type3A_42 : vector<12800x15xbf16> to vector<400x32x15xbf16>
    %reshape3A_44 = vector.shape_cast %concatenate3A : vector<12800x64xbf16> to vector<400x32x64xbf16>
    %dot_general3A_45 = arith.constant dense<0.000000e+00> : vector<400x15x64xf32>
    %dot_general3A_46 = tpu.matmul %reshape3A_43, %reshape3A_44, %dot_general3A_45 {dimension_numbers = #tpu.dot_dimension_numbers<[1], [1], [2], [2], [0, 0, 0, 2, 1, 2], [0], [0]>, transpose_lhs_hint = false} : vector<400x32x15xbf16>, vector<400x32x64xbf16>, vector<400x15x64xf32> -> vector<400x15x64xf32>
    %reshape3A_47 = vector.shape_cast %dot_general3A_46 : vector<400x15x64xf32> to vector<400x960xf32>
    %get3A_48 = arith.constant 0 : index
    %get3A_49 = arith.constant 0 : index
    %get3A_50 = vector.load %arg6[%get3A_48, %get3A_49] : memref<960x64xf32, #tpu.memory_space<vmem>>, vector<960x64xf32>
    %dot_general3A_51 = arith.constant dense<0.000000e+00> : vector<400x64xf32>
    %dot_general3A_52 = tpu.matmul %reshape3A_47, %get3A_50, %dot_general3A_51 {dimension_numbers = #tpu.dot_dimension_numbers<[1], [0], [0], [1], [0, 0, 1, 1], [], []>, transpose_lhs_hint = false} : vector<400x960xf32>, vector<960x64xf32>, vector<400x64xf32> -> vector<400x64xf32>
    %ge3A = arith.constant 0.000000e+00 : f32
    %ge3A_53 = vector.broadcast %ge3A : f32 to vector<400x64xf32>
    %ge3A_54 = arith.cmpf oge, %dot_general3A_52, %ge3A_53 : vector<400x64xf32>
    %mul3A_55 = arith.constant 1.000000e-01 : f32
    %mul3A_56 = vector.broadcast %mul3A_55 : f32 to vector<400x64xf32>
    %mul3A_57 = arith.mulf %mul3A_56, %dot_general3A_52 : vector<400x64xf32>
    %select_n3A = arith.select %ge3A_54, %dot_general3A_52, %mul3A_57 : vector<400x64xi1>, vector<400x64xf32>
    %get3A_58 = arith.constant 0 : index
    %get3A_59 = arith.constant 0 : index
    %get3A_60 = vector.load %arg7[%get3A_58, %get3A_59] : memref<64x256xf32, #tpu.memory_space<vmem>>, vector<64x256xf32>
    %dot_general3A_61 = arith.constant dense<0.000000e+00> : vector<400x256xf32>
    %dot_general3A_62 = tpu.matmul %select_n3A, %get3A_60, %dot_general3A_61 {dimension_numbers = #tpu.dot_dimension_numbers<[1], [0], [0], [1], [0, 0, 1, 1], [], []>, transpose_lhs_hint = false} : vector<400x64xf32>, vector<64x256xf32>, vector<400x256xf32> -> vector<400x256xf32>
    %get3A_63 = arith.constant 0 : index
    %get3A_64 = arith.constant 0 : index
    %get3A_65 = vector.load %arg8[%get3A_63, %get3A_64] : memref<1x256xf32, #tpu.memory_space<vmem>>, vector<1x256xf32>
    %add3A_66 = vector.broadcast %get3A_65 : vector<1x256xf32> to vector<400x256xf32>
    %add3A_67 = arith.addf %dot_general3A_62, %add3A_66 : vector<400x256xf32>
    %get3A_68 = arith.constant 0 : index
    %get3A_69 = arith.constant 0 : index
    %get3A_70 = vector.load %arg9[%get3A_68, %get3A_69] : memref<1x256xf32, #tpu.memory_space<vmem>>, vector<1x256xf32>
    %mul3A_71 = vector.broadcast %get3A_70 : vector<1x256xf32> to vector<400x256xf32>
    %mul3A_72 = arith.mulf %add3A_67, %mul3A_71 : vector<400x256xf32>
    %get3A_73 = arith.constant 0 : index
    %get3A_74 = arith.constant 0 : index
    %get3A_75 = vector.load %arg10[%get3A_73, %get3A_74] : memref<1x256xf32, #tpu.memory_space<vmem>>, vector<1x256xf32>
    %add3A_76 = vector.broadcast %get3A_75 : vector<1x256xf32> to vector<400x256xf32>
    %add3A_77 = arith.addf %mul3A_72, %add3A_76 : vector<400x256xf32>
    %ge3A_78 = arith.constant 0.000000e+00 : f32
    %ge3A_79 = vector.broadcast %ge3A_78 : f32 to vector<400x256xf32>
    %ge3A_80 = arith.cmpf oge, %add3A_77, %ge3A_79 : vector<400x256xf32>
    %mul3A_81 = arith.constant 1.000000e-01 : f32
    %mul3A_82 = vector.broadcast %mul3A_81 : f32 to vector<400x256xf32>
    %mul3A_83 = arith.mulf %mul3A_82, %add3A_77 : vector<400x256xf32>
    %select_n3A_84 = arith.select %ge3A_80, %add3A_77, %mul3A_83 : vector<400x256xi1>, vector<400x256xf32>
    %get3A_85 = arith.constant 0 : index
    %get3A_86 = arith.constant 0 : index
    %get3A_87 = vector.load %arg3[%get3A_85, %get3A_86] : memref<400x128xf32, #tpu.memory_space<vmem>>, vector<400x128xf32>
    %get3A_88 = arith.constant 0 : index
    %get3A_89 = arith.constant 0 : index
    %get3A_90 = vector.load %arg11[%get3A_88, %get3A_89] : memref<128x256xf32, #tpu.memory_space<vmem>>, vector<128x256xf32>
    %dot_general3A_91 = arith.constant dense<0.000000e+00> : vector<400x256xf32>
    %dot_general3A_92 = tpu.matmul %get3A_87, %get3A_90, %dot_general3A_91 {dimension_numbers = #tpu.dot_dimension_numbers<[1], [0], [0], [1], [0, 0, 1, 1], [], []>, transpose_lhs_hint = false} : vector<400x128xf32>, vector<128x256xf32>, vector<400x256xf32> -> vector<400x256xf32>
    %get3A_93 = arith.constant 0 : index
    %get3A_94 = arith.constant 0 : index
    %get3A_95 = vector.load %arg12[%get3A_93, %get3A_94] : memref<1x256xf32, #tpu.memory_space<vmem>>, vector<1x256xf32>
    %add3A_96 = vector.broadcast %get3A_95 : vector<1x256xf32> to vector<400x256xf32>
    %add3A_97 = arith.addf %dot_general3A_92, %add3A_96 : vector<400x256xf32>
    %get3A_98 = arith.constant 0 : index
    %get3A_99 = arith.constant 0 : index
    %get3A_100 = vector.load %arg13[%get3A_98, %get3A_99] : memref<1x256xf32, #tpu.memory_space<vmem>>, vector<1x256xf32>
    %mul3A_101 = vector.broadcast %get3A_100 : vector<1x256xf32> to vector<400x256xf32>
    %mul3A_102 = arith.mulf %add3A_97, %mul3A_101 : vector<400x256xf32>
    %get3A_103 = arith.constant 0 : index
    %get3A_104 = arith.constant 0 : index
    %get3A_105 = vector.load %arg14[%get3A_103, %get3A_104] : memref<1x256xf32, #tpu.memory_space<vmem>>, vector<1x256xf32>
    %add3A_106 = vector.broadcast %get3A_105 : vector<1x256xf32> to vector<400x256xf32>
    %add3A_107 = arith.addf %mul3A_102, %add3A_106 : vector<400x256xf32>
    %ge3A_108 = arith.constant 0.000000e+00 : f32
    %ge3A_109 = vector.broadcast %ge3A_108 : f32 to vector<400x256xf32>
    %ge3A_110 = arith.cmpf oge, %add3A_107, %ge3A_109 : vector<400x256xf32>
    %mul3A_111 = arith.constant 1.000000e-01 : f32
    %mul3A_112 = vector.broadcast %mul3A_111 : f32 to vector<400x256xf32>
    %mul3A_113 = arith.mulf %mul3A_112, %add3A_107 : vector<400x256xf32>
    %select_n3A_114 = arith.select %ge3A_110, %add3A_107, %mul3A_113 : vector<400x256xi1>, vector<400x256xf32>
    %add3A_115 = arith.addf %select_n3A_84, %select_n3A_114 : vector<400x256xf32>
    %ge3A_116 = arith.constant 0.000000e+00 : f32
    %ge3A_117 = vector.broadcast %ge3A_116 : f32 to vector<400x256xf32>
    %ge3A_118 = arith.cmpf oge, %add3A_115, %ge3A_117 : vector<400x256xf32>
    %mul3A_119 = arith.constant 1.000000e-01 : f32
    %mul3A_120 = vector.broadcast %mul3A_119 : f32 to vector<400x256xf32>
    %mul3A_121 = arith.mulf %mul3A_120, %add3A_115 : vector<400x256xf32>
    %select_n3A_122 = arith.select %ge3A_118, %add3A_115, %mul3A_121 : vector<400x256xi1>, vector<400x256xf32>
    %swap3A = arith.constant 0 : index
    %swap3A_123 = arith.constant 0 : index
    %swap3A_124 = vector.load %arg15[%swap3A, %swap3A_123] : memref<400x256xf32, #tpu.memory_space<vmem>>, vector<400x256xf32>
    tpu.vector_store %arg15[%swap3A, %swap3A_123], %select_n3A_122 {strides = array<i32>} : memref<400x256xf32, #tpu.memory_space<vmem>>, vector<400x256xf32>,
    return
  }
  func.func @transform_0(%arg0: i32) -> (i32, i32) {
    %c0_i32 = arith.constant 0 : i32
    %c0_i32_0 = arith.constant 0 : i32
    return %arg0, %c0_i32 : i32, i32
  }
  func.func @transform_1(%arg0: i32) -> (i32, i32) {
    %c0_i32 = arith.constant 0 : i32
    %c0_i32_0 = arith.constant 0 : i32
    return %arg0, %c0_i32 : i32, i32
  }
  func.func @transform_2(%arg0: i32) -> (i32, i32) {
    %c0_i32 = arith.constant 0 : i32
    %c0_i32_0 = arith.constant 0 : i32
    return %arg0, %c0_i32 : i32, i32
  }
  func.func @transform_3(%arg0: i32) -> (i32, i32) {
    %c0_i32 = arith.constant 0 : i32
    %c0_i32_0 = arith.constant 0 : i32
    %c0_i32_1 = arith.constant 0 : i32
    return %c0_i32, %c0_i32_0 : i32, i32
  }
  func.func @transform_4(%arg0: i32) -> (i32, i32) {
    %c0_i32 = arith.constant 0 : i32
    %c0_i32_0 = arith.constant 0 : i32
    %c0_i32_1 = arith.constant 0 : i32
    return %c0_i32, %c0_i32_0 : i32, i32
  }
  func.func @transform_5(%arg0: i32) -> (i32, i32) {
    %c0_i32 = arith.constant 0 : i32
    %c0_i32_0 = arith.constant 0 : i32
    %c0_i32_1 = arith.constant 0 : i32
    return %c0_i32, %c0_i32_0 : i32, i32
  }
  func.func @transform_6(%arg0: i32) -> (i32, i32) {
    %c0_i32 = arith.constant 0 : i32
    %c0_i32_0 = arith.constant 0 : i32
    %c0_i32_1 = arith.constant 0 : i32
    return %c0_i32, %c0_i32_0 : i32, i32
  }
  func.func @transform_7(%arg0: i32) -> (i32, i32) {
    %c0_i32 = arith.constant 0 : i32
    %c0_i32_0 = arith.constant 0 : i32
    %c0_i32_1 = arith.constant 0 : i32
    return %c0_i32, %c0_i32_0 : i32, i32
  }
  func.func @transform_8(%arg0: i32) -> (i32, i32) {
    %c0_i32 = arith.constant 0 : i32
    %c0_i32_0 = arith.constant 0 : i32
    %c0_i32_1 = arith.constant 0 : i32
    return %c0_i32, %c0_i32_0 : i32, i32
  }
  func.func @transform_9(%arg0: i32) -> (i32, i32) {
    %c0_i32 = arith.constant 0 : i32
    %c0_i32_0 = arith.constant 0 : i32
    %c0_i32_1 = arith.constant 0 : i32
    return %c0_i32, %c0_i32_0 : i32, i32
  }
  func.func @transform_10(%arg0: i32) -> (i32, i32) {
    %c0_i32 = arith.constant 0 : i32
    %c0_i32_0 = arith.constant 0 : i32
    %c0_i32_1 = arith.constant 0 : i32
    return %c0_i32, %c0_i32_0 : i32, i32
  }
  func.func @transform_11(%arg0: i32) -> (i32, i32) {
    %c0_i32 = arith.constant 0 : i32
    %c0_i32_0 = arith.constant 0 : i32
    %c0_i32_1 = arith.constant 0 : i32
    return %c0_i32, %c0_i32_0 : i32, i32
  }
  func.func @transform_12(%arg0: i32) -> (i32, i32) {
    %c0_i32 = arith.constant 0 : i32
    %c0_i32_0 = arith.constant 0 : i32
    %c0_i32_1 = arith.constant 0 : i32
    return %c0_i32, %c0_i32_0 : i32, i32
  }
  func.func @transform_13(%arg0: i32) -> (i32, i32) {
    %c0_i32 = arith.constant 0 : i32
    %c0_i32_0 = arith.constant 0 : i32
    %c0_i32_1 = arith.constant 0 : i32
    return %c0_i32, %c0_i32_0 : i32, i32
  }
  func.func @transform_14(%arg0: i32) -> (i32, i32) {
    %c0_i32 = arith.constant 0 : i32
    %c0_i32_0 = arith.constant 0 : i32
    return %arg0, %c0_i32 : i32, i32
  }
}

</mosaic_0001>

<sc_bundles>
// kernel: kernel.5.cloned.1.call-start
scs
__scs_entry_jumppad:
0x0: {  	(pc) =	sbr.rel $0x88, $3  }
0x1: {  	(tag) =	ssettag $0x0;
	lr =	simm.s32 $0x1  }
0x2: {  	[smem:$0x3F91] =	sst lr;
	_ =	strace $0xD0000000  }
0x3: {  	_ = 	snop  }
0x4: {  	_ = 	snop  }
0x5: {  	_ = 	snop  }
0x6: {  	_ = 	snop  }
0x7: {  	_ = 	snop  }
__scs_overlays_trampoline_lowered:
0x8: {  	[smem:$0x3FA0] =	sst s0  }
0x9: {  	[smem:$0x3FA1] =	sst s1  }
0xa: {  	[smem:$0x3FA2] =	sst s2  }
0xb: {  	[smem:$0x3FA3] =	sst s3  }
0xc: {  	[smem:$0x3FA4] =	sst s4  }
0xd: {  	[smem:$0x3FA5] =	sst s5  }
0xe: {  	[smem:$0x3FA6] =	sst s6  }
0xf: {  	[smem:$0x3FA7] =	sst s7  }
0x10: {  	[smem:$0x3FA8] =	sst s8  }
0x11: {  	[smem:$0x3FA9] =	sst s9;
	s0 =	simm.s32 @!p0 $0x0  }
0x12: {  	s1 =	sld [smem:$0x3F8F];
	s0 =	simm.s32 @p0 $0x1  }
0x13: {  	[smem:$0x3FAA] =	sst s0;
	s0 =	simm.s32 @!p1 $0x0  }
0x14: {  	s2 =	sld [smem:$0x3F8E];
	s0 =	simm.s32 @p1 $0x1  }
0x15: {  	[smem:$0x3FAB] =	sst s0;
	s0 =	simm.s32 @!p2 $0x0  }
0x16: {  	s3 =	sld [smem:$0x3FDB];
	s0 =	simm.s32 @p2 $0x1  }
0x17: {  	s4 =	simm.s32 $0x1BF5;
	[smem:$0x3FAD] =	sst s0  }
0x18: {  	s0 =	sld [smem:$0x3F90];
	_ =	swait.ge [sflag:s4], $0x0  }
0x19: {  	s7 =	sld [smem:$0x3F91]  }
0x1a: {  	s8 =	sadd.s32 $0xFFFFE003, lr  }
0x1b: {  	s9 =	sadd.s32 $0xFFFFFEF7, lr;
	s5 =	simm.s32 $0xFFFFFFFF;
	p2 =	slt.u32 s8, $0xFFFFF086  }
0x1c: {  	p1 =	slt.u32 s9, $0xF7A;
	s5 =	simm.s32 @!p2 $0x0  }
0x1d: {  	s5 =	simm.s32 @p1 $0x1;
	p0 =	seq.s32 s7, s2  }
0x1e: {  	s7 =	smul.u32 @!p0 $0xF7A, s2;
	p2 =	seq.s32 @!p0 s5, $0x0  }
0x1f: {  	s9 =	smul.u32 $0xF7A, s1;
	s8 =	simm.s32 @!p0 $0x1BF5;
	p2 =	por !p2, p0  }
0x20: {  	[sflag:s8] =	ssyncset.s32 @!p0 $0xFFFFF086;
	s6 =	sadd.s32 @!p0 s3, s7;
	s7 =	simm.s32 @!p0 $0x108  }
0x21: {  	s3 =	sadd.s32 s3, s9;
	s6 =	sadd.s32 @!p0 $0x88, s6;
	s7 =	simm.s32 @p2 $0x1082  }
0x22: {  	[simem:s7], [sflag:s8] =	dma.local @!p0 [hbm:s6], $0xF7A  }
0x23: {  	s9 =	sor.u32 $0xD0000000, s2;
	s6 =	simm.s32 $0x108;
	_ =	swait.ge @!p0 [sflag:s8], $0x0  }
0x24: {  	s3 =	sadd.s32 $0x88, s3;
	s6 =	simm.s32 @!p1 $0x1082;
	[sflag:s4] =	ssyncset.s32 $0xFFFFF086  }
0x25: {  	[simem:s6], [sflag:s4] =	dma.local [hbm:s3], $0xF7A  }
0x26: {  	[smem:$0x3F91] =	sst s1;
	(tag) =	ssettag s2;
	_ =	strace s9  }
0x27: {  	s1 =	sld [smem:$0x3FA1]  }
0x28: {  	s2 =	sld [smem:$0x3FA2]  }
0x29: {  	s4 =	sld [smem:$0x3FA4]  }
0x2a: {  	p0 =	seq.s32 s5, $0x0;
	s5 =	sld [smem:$0x3FA5]  }
0x2b: {  	s6 =	sld [smem:$0x3FA6]  }
0x2c: {  	s7 =	sld [smem:$0x3FA7]  }
0x2d: {  	s3 =	simm.s32 $0x108;
	s8 =	sld [smem:$0x3FA8]  }
0x2e: {  	s3 =	simm.s32 @!p0 $0x1082;
	s9 =	sld [smem:$0x3FA9]  }
0x2f: {  	lr =	sadd.s32 s0, s3;
	s0 =	sld [smem:$0x3FA0]  }
0x30: {  	s3 =	sld [smem:$0x3FA3]  }
0x31: {  	[smem:$0x3FAC] =	sst s10  }
0x32: {  	s10 =	sld [smem:$0x3FAA];
	_ =	sdelay $0x3  }
0x33: {  	p0 =	seq.s32 s10, $0x1;
	s10 =	sld [smem:$0x3FAC];
	_ =	sdelay $0x3  }
0x34: {  	[smem:$0x3FAC] =	sst s10  }
0x35: {  	s10 =	sld [smem:$0x3FAB];
	_ =	sdelay $0x3  }
0x36: {  	p1 =	seq.s32 s10, $0x1;
	s10 =	sld [smem:$0x3FAC];
	_ =	sdelay $0x3  }
0x37: {  	[smem:$0x3FAC] =	sst s10  }
0x38: {  	s10 =	sld [smem:$0x3FAD]  }
0x39: {  	_ = 	snop;
	(pc) =	sbr.ind lr, $3  }
0x3a: {  	_ = 	snop  }
0x3b: {  	_ = 	snop  }
0x3c: {  	p2 =	seq.s32 s10, $0x1;
	s10 =	sld [smem:$0x3FAC]  }
0x3d: {  	_ =	shalt  }
0x3e: {  	_ =	shalt  }
0x3f: {  	_ =	shalt  }
0x40: {  	_ =	shalt  }
0x41: {  	_ =	shalt  }
0x42: {  	_ =	shalt  }
0x43: {  	_ =	shalt  }
0x44: {  	_ =	shalt  }
0x45: {  	_ =	shalt  }
0x46: {  	_ =	shalt  }
0x47: {  	_ =	shalt  }
0x48: {  	_ =	shalt  }
0x49: {  	_ =	shalt  }
0x4a: {  	_ =	shalt  }
0x4b: {  	_ =	shalt  }
0x4c: {  	_ =	shalt  }
0x4d: {  	_ =	shalt  }
0x4e: {  	_ =	shalt  }
0x4f: {  	_ =	shalt  }
0x50: {  	_ =	shalt  }
0x51: {  	_ =	shalt  }
0x52: {  	_ =	shalt  }
0x53: {  	_ =	shalt  }
0x54: {  	_ =	shalt  }
0x55: {  	_ =	shalt  }
0x56: {  	_ =	shalt  }
0x57: {  	_ =	shalt  }
0x58: {  	_ =	shalt  }
0x59: {  	_ =	shalt  }
0x5a: {  	_ =	shalt  }
0x5b: {  	_ =	shalt  }
0x5c: {  	_ =	shalt  }
0x5d: {  	_ =	shalt  }
0x5e: {  	_ =	shalt  }
0x5f: {  	_ =	shalt  }
0x60: {  	_ =	shalt  }
0x61: {  	_ =	shalt  }
0x62: {  	_ =	shalt  }
0x63: {  	_ =	shalt  }
0x64: {  	_ =	shalt  }
0x65: {  	_ =	shalt  }
0x66: {  	_ =	shalt  }
0x67: {  	_ =	shalt  }
0x68: {  	_ =	shalt  }
0x69: {  	_ =	shalt  }
0x6a: {  	_ =	shalt  }
0x6b: {  	_ =	shalt  }
0x6c: {  	_ =	shalt  }
0x6d: {  	_ =	shalt  }
0x6e: {  	_ =	shalt  }
0x6f: {  	_ =	shalt  }
0x70: {  	_ =	shalt  }
0x71: {  	_ =	shalt  }
0x72: {  	_ =	shalt  }
0x73: {  	_ =	shalt  }
0x74: {  	_ =	shalt  }
0x75: {  	_ =	shalt  }
0x76: {  	_ =	shalt  }
0x77: {  	_ =	shalt  }
0x78: {  	_ =	shalt  }
0x79: {  	_ =	shalt  }
0x7a: {  	_ =	shalt  }
0x7b: {  	_ =	shalt  }
0x7c: {  	_ =	shalt  }
0x7d: {  	_ =	shalt  }
0x7e: {  	_ =	shalt  }
0x7f: {  	_ =	shalt  }
0x80: {  	_ =	shalt  }
0x81: {  	_ =	shalt  }
0x82: {  	_ =	shalt  }
0x83: {  	_ =	shalt  }
0x84: {  	_ =	shalt  }
0x85: {  	_ =	shalt  }
0x86: {  	_ =	shalt  }
0x87: {  	_ =	shalt  }
.Lfunc_end0:
.L_simem_size_0:
called_computation_lowered:
.L_overlay_start_0:
0x88: {  	s2 =	sld [smem:$0x3FD9]  }
0x89: {  	s3 =	sld [smem:$0x3FFE];
	_ =	sdelay $0x1  }
0x8a: {  	s1 =	srdreg.scid  }
0x8b: {  	s0 =	sand.u32 $0x1, s1  }
0x8c: {  	s17 =	sshll.u32 s0, $0xA;
	s2 =	sadd.s32 s3, s2  }
0x8d: {  	s2 =	sadd.s32 s2, s17  }
0x8e: {  	[smem:$0x3FB8] =	sst s2  }
0x8f: {  	_ = 	snop  }
0x90: {  	s2 =	sld [smem:$0x3FD0];
	(tm) =	ssettm $0x1  }
0x91: {  	s18 =	sld [smem:$0x3FFB];
	_ =	sdelay $0x3  }
0x92: {  	_ =	strace s18  }
0x93: {  	s3 =	sld [smem:$0x3FFC];
	_ =	sdelay $0x3  }
0x94: {  	_ =	strace s3  }
0x95: {  	s3 =	sld [smem:$0x3FFD];
	_ =	sdelay $0x3  }
0x96: {  	_ =	strace s3  }
0x97: {  	_ =	strace $0x8FFFFFFF  }
0x98: {  	s19 =	sld [smem:$0x3FDB];
	_ =	sdelay $0x1  }
0x99: {  	s4 =	simm.s32 $_scs_section_size  }
0x9a: {  	s5 =	simm.s32 $_size__tile_overlayer_lowered;
	s6 =	simm.s32 $_tile_overlayer_lowered  }
0x9b: {  	s22 =	simm.s32 $0x1BFF;
	s21 =	sshll.u32 s6, $0x1;
	s3 =	sadd.s32 s4, s19  }
0x9c: {  	s7 =	simm.s32 $0x0;
	s20 =	sshll.u32 s5, $0x1;
	s5 =	sadd.s32 s21, s3  }
0x9d: {  	[timem:s7], [sflag:s22] =	dma.local [hbm:s5], s20  }
0x9e: {  	_ =	swait.ge [sflag:s22], s20  }
0x9f: {  	s4 =	ssub.s32 $0x0, s20;
	[sflag:s22] =	ssyncset.done $0x0  }
0xa0: {  	[sflag:s22] =	ssyncadd.s32 s4;
	_ =	sdelay $0x1  }
0xa1: {  	s23 =	simm.s32 $0x1B8B  }
0xa2: {  	_ =	swait.ge [sflag:s23], $0x1  }
0xa3: {  	[sflag:s23] =	ssyncset.done $0x0  }
0xa4: {  	s25 =	simm.s32 $0x1B8E;
	s24 =	sld [smem:$0x3FFE];
	[sflag:s23] =	ssyncadd.s32 $0xFFFFFFFF  }
0xa5: {  	s26 =	simm.s32 $execute0_lowered;
	[smem:$0x3FD2] =	sst s25  }
0xa6: {  	s5 =	sshll.u32 s26, $0x1;
	_ =	strace $0x80000046;
	[dreg:$0x1] =	wrdreg $0xFFFFFFFF  }
0xa7: {  	s28 =	simm.s32 $_size_execute0_lowered;
	s3 =	sadd.s32 s3, s5;
	[dreg:$0x0] =	wrdreg $0x0  }
0xa8: {  	s5 =	sshll.u32 s28, $0x1;
	[dreg:$0x2] =	wrdreg s3  }
0xa9: {  	[dreg:$0x3] =	wrdreg s5  }
0xaa: {  	[dreg:$0x4] =	wrdreg $0xC0  }
0xab: {  	_ =	task [dreg:s7], $0x5FFFF  }
0xac: {  	[dreg:$0x1] =	wrdreg $0xFFFFFFFF  }
0xad: {  	[dreg:$0x0] =	wrdreg $0x60  }
0xae: {  	[dreg:$0x2] =	wrdreg s2  }
0xaf: {  	[dreg:$0x3] =	wrdreg s24  }
0xb0: {  	[dreg:$0x4] =	wrdreg $0x9  }
0xb1: {  	_ =	task.clear_ibuf [dreg:s7], $0x5FFFF;
	_ =	strace $0x90000046  }
0xb2: {  	s29 =	simm.s32 $0x9;
	_ =	strace $0x80000048  }
0xb3: {  	_ =	swait.ge [sflag:s29], $0x1  }
0xb4: {  	[sflag:s29] =	ssyncadd.s32 $0xFFFFFFFF  }
0xb5: {  	_ =	strace $0x90000048  }
0xb6: {  	_ =	sfence  }
0xb7: {  	s30 =	sld [smem:$0x0];
	_ =	sdelay $0x2  }
0xb8: {  	s31 =	sshll.u32 s1, $0xD;
	s1 =	sshrl.u32 s1, $0x2  }
0xb9: {  	s3 =	sand.u32 $0x4000, s31;
	s1 =	sadd.s32 s1, s30  }
0xba: {  	s0 =	sor.u32 s3, s0;
	s1 =	sshll.u32 s1, $0x11  }
0xbb: {  	s0 =	sor.u32 s1, s0  }
0xbc: {  	s0 =	sadd.s32 $0x8F2B, s0  }
0xbd: {  	[sflag:s0] =	ssyncadd.remote.s32 $0x1  }
0xbe: {  	_ =	sfence.sel $0xFFFF  }
0xbf: {  	[dreg:$0x0] =	wrdreg $0xFFFFFFFF;
	(pc) =	sbr.abs _section_cstart, $3  }
0xc0: {  	[dreg:$0x1] =	wrdreg $0xFFFFFFFF  }
0xc1: {  	_ =	task.clear_ibuf [dreg:s7], $0x2FFFF;
	_ =	strace $0x9FFFFFFF  }
0xc2: {  	(tm) =	ssettm $0x7FFFFFFF  }
0xc3: {  	_ =	shalt  }
tec
execute0_lowered:
.L_overlay_start_1:
0x0: {  	(tag) =	ssettag $0x1  }
0x1: {  	s1 =	srdreg.scid;
	s0 =	stileid.u32  }
0x2: {  	s16 =	sand.u32 $0x1, s1;
	s30 =	sshll.u32 s0, $0x1  }
0x3: {  	s2 =	rddreg [dreg:$0x0];
	s8 =	sor.u32 s16, s30  }
0x4: {  	s9 =	rddreg [dreg:$0x1];
	s10 =	smul.u32 $0x2710, s8  }
0x5: {  	s3 =	simm.s32 $0x0;
	s1 =	rddreg [dreg:$0x2]  }
0x6: {  	[smem:$0x7FF] =	sst s3;
	s11 =	sadd.s32 $0x2400, s9;
	s4 =	sshrl.u32 s10, $0x3  }
0x7: {  	_ =	strace $0x80000047;
	s5 =	sadd.s32 s11, s4;
	s4 =	simm.s32 $0x2  }
0x8: {  	[tilespmem:s3], [sflag:$0x2] =	stream.linear.gather [hbm4b:s5+s3], $0x7D0, $0x38;
	[tilespmem:$0x17ED0] =	vst v63  }
0x9: {  	_ =	swait.ge [sflag:s4], $0x7D0  }
0xa: {  	[sflag:s4] =	ssyncset.done $0x0  }
0xb: {  	s6 =	simm.s32 $0x7D0;
	s7 =	simm.s32 $0x1;
	[sflag:s4] =	ssyncadd.s32 $0xFFFFF830  }
0xc: {  	[tilespmem:s6], [sflag:$0x1] =	stream.indirect.gather [hbm4b:s2+s6], $0x30, s3, s6, $0xb8;
	[tilespmem:$0x17ED0] =	vst v63  }
0xd: {  	s8 =	smul.u32 $0xEA60, s8;
	_ =	swait.ge [sflag:s7], $0x17700  }
0xe: {  	s12 =	sadd.s32 $0xC200, s9;
	[sflag:s7] =	ssyncset.done $0x0  }
0xf: {  	s8 =	sadd.s32 s12, s8;
	[sflag:s7] =	ssyncadd.s32 $0xFFFE8900  }
0x10: {  	[hbm4b:s8+s3] =	stream.linear.scatter [tilespmem:s6], [sflag:$0x2], $0x17700, $0x38;
	[tilespmem:$0x17ED0] =	vst v63  }
0x11: {  	s10 =	sadd.s32 $0x7D0, s10;
	_ =	swait.ge [sflag:s4], $0x17700  }
0x12: {  	s31 =	sshrl.u32 s10, $0x3;
	[sflag:s4] =	ssyncset.done $0x0  }
0x13: {  	s9 =	sadd.s32 s11, s31;
	[sflag:s4] =	ssyncadd.s32 $0xFFFE8900  }
0x14: {  	[tilespmem:s3], [sflag:$0x2] =	stream.linear.gather [hbm4b:s9+s3], $0x7D0, $0x38;
	[tilespmem:$0x17ED0] =	vst v63  }
0x15: {  	_ =	swait.ge [sflag:s4], $0x7D0  }
0x16: {  	[sflag:s4] =	ssyncset.done $0x0  }
0x17: {  	[sflag:s4] =	ssyncadd.s32 $0xFFFFF830  }
0x18: {  	[tilespmem:s6], [sflag:$0x1] =	stream.indirect.gather [hbm4b:s2+s6], $0x30, s3, s6, $0xb8;
	[tilespmem:$0x17ED0] =	vst v63  }
0x19: {  	s10 =	smul.u32 $0x6, s10;
	_ =	swait.ge [sflag:s7], $0x17700  }
0x1a: {  	[sflag:s7] =	ssyncset.done $0x0  }
0x1b: {  	s10 =	sadd.s32 s12, s10;
	[sflag:s7] =	ssyncadd.s32 $0xFFFE8900  }
0x1c: {  	[hbm4b:s10+s3] =	stream.linear.scatter [tilespmem:s6], [sflag:$0x2], $0x17700, $0x38;
	[tilespmem:$0x17ED0] =	vst v63  }
0x1d: {  	_ =	swait.ge [sflag:s4], $0x17700  }
0x1e: {  	[sflag:s4] =	ssyncset.done $0x0  }
0x1f: {  	s11 =	sadd.s32 $0x1F4, s5;
	[sflag:s4] =	ssyncadd.s32 $0xFFFE8900  }
0x20: {  	[tilespmem:s3], [sflag:$0x2] =	stream.linear.gather [hbm4b:s11+s3], $0x7D0, $0x38;
	[tilespmem:$0x17ED0] =	vst v63  }
0x21: {  	_ =	swait.ge [sflag:s4], $0x7D0  }
0x22: {  	[sflag:s4] =	ssyncset.done $0x0  }
0x23: {  	[sflag:s4] =	ssyncadd.s32 $0xFFFFF830  }
0x24: {  	[tilespmem:s6], [sflag:$0x1] =	stream.indirect.gather [hbm4b:s2+s6], $0x30, s3, s6, $0xb8;
	[tilespmem:$0x17ED0] =	vst v63  }
0x25: {  	_ =	swait.ge [sflag:s7], $0x17700  }
0x26: {  	[sflag:s7] =	ssyncset.done $0x0  }
0x27: {  	s12 =	sadd.s32 $0x5DC0, s8;
	[sflag:s7] =	ssyncadd.s32 $0xFFFE8900  }
0x28: {  	[hbm4b:s12+s3] =	stream.linear.scatter [tilespmem:s6], [sflag:$0x2], $0x17700, $0x38;
	[tilespmem:$0x17ED0] =	vst v63  }
0x29: {  	_ =	swait.ge [sflag:s4], $0x17700  }
0x2a: {  	[sflag:s4] =	ssyncset.done $0x0  }
0x2b: {  	s13 =	sadd.s32 $0x2EE, s5;
	[sflag:s4] =	ssyncadd.s32 $0xFFFE8900  }
0x2c: {  	[tilespmem:s3], [sflag:$0x2] =	stream.linear.gather [hbm4b:s13+s3], $0x7D0, $0x38;
	[tilespmem:$0x17ED0] =	vst v63  }
0x2d: {  	_ =	swait.ge [sflag:s4], $0x7D0  }
0x2e: {  	[sflag:s4] =	ssyncset.done $0x0  }
0x2f: {  	[sflag:s4] =	ssyncadd.s32 $0xFFFFF830  }
0x30: {  	[tilespmem:s6], [sflag:$0x1] =	stream.indirect.gather [hbm4b:s2+s6], $0x30, s3, s6, $0xb8;
	[tilespmem:$0x17ED0] =	vst v63  }
0x31: {  	_ =	swait.ge [sflag:s7], $0x17700  }
0x32: {  	[sflag:s7] =	ssyncset.done $0x0  }
0x33: {  	s14 =	sadd.s32 $0x8CA0, s8;
	[sflag:s7] =	ssyncadd.s32 $0xFFFE8900  }
0x34: {  	[hbm4b:s14+s3] =	stream.linear.scatter [tilespmem:s6], [sflag:$0x2], $0x17700, $0x38;
	[tilespmem:$0x17ED0] =	vst v63  }
0x35: {  	_ =	swait.ge [sflag:s4], $0x17700  }
0x36: {  	[sflag:s4] =	ssyncset.done $0x0  }
0x37: {  	s16 =	ssub.s32 $0x2, s16;
	s15 =	sadd.s32 $0x3E8, s5;
	[sflag:s4] =	ssyncadd.s32 $0xFFFE8900  }
0x38: {  	[tilespmem:s3], [sflag:$0x2] =	stream.linear.gather [hbm4b:s15+s3], $0x7D0, $0x38;
	[tilespmem:$0x17ED0] =	vst v63  }
0x39: {  	s17 =	sshrl.u32 s16, $0x1;
	_ =	swait.ge [sflag:s4], $0x7D0  }
0x3a: {  	s16 =	ssub.s32 s16, s17;
	[sflag:s4] =	ssyncset.done $0x0  }
0x3b: {  	s17 =	smax.u32 s16, $0x1;
	[sflag:s4] =	ssyncadd.s32 $0xFFFFF830  }
0x3c: {  	[tilespmem:s6], [sflag:$0x1] =	stream.indirect.gather [hbm4b:s2+s6], $0x30, s3, s6, $0xb8;
	[tilespmem:$0x17ED0] =	vst v63  }
0x3d: {  	p0 =	sne.s32 s17, $0x1;
	_ =	swait.ge [sflag:s7], $0x17700  }
.Ltmp0:
0x3e: {  	[sflag:s7] =	ssyncset.done $0x0;
	(pc) =	sbr.rel @!p0 .LBB2_2-.Ltmp0, $4  }
0x3f: {  	s16 =	sadd.s32 $0xBB80, s8;
	[sflag:s7] =	ssyncadd.s32 $0xFFFE8900  }
0x40: {  	[hbm4b:s16+s3] =	stream.linear.scatter [tilespmem:s6], [sflag:$0x2], $0x17700, $0x38;
	[tilespmem:$0x17ED0] =	vst v63  }
0x41: {  	_ =	swait.ge [sflag:s4], $0x17700  }
0x42: {  	s17 =	sadd.s32 $0xFFFFFFFF, s17;
	[sflag:s4] =	ssyncset.done $0x0  }
.LBB2_1:
0x43: {  	p0 =	sne.s32 s17, $0x1;
	s17 =	sadd.s32 $0xFFFFFFFF, s17;
	[sflag:s4] =	ssyncadd.s32 $0xFFFE8900  }
0x44: {  	[tilespmem:s3], [sflag:$0x2] =	stream.linear.gather [hbm4b:s5+s3], $0x7D0, $0x38;
	[tilespmem:$0x17ED0] =	vst v63  }
0x45: {  	_ =	swait.ge [sflag:s4], $0x7D0  }
0x46: {  	[sflag:s4] =	ssyncset.done $0x0  }
0x47: {  	[sflag:s4] =	ssyncadd.s32 $0xFFFFF830  }
0x48: {  	[tilespmem:s6], [sflag:$0x1] =	stream.indirect.gather [hbm4b:s2+s6], $0x30, s3, s6, $0xb8;
	[tilespmem:$0x17ED0] =	vst v63  }
0x49: {  	_ =	swait.ge [sflag:s7], $0x17700  }
0x4a: {  	[sflag:s7] =	ssyncset.done $0x0  }
0x4b: {  	[sflag:s7] =	ssyncadd.s32 $0xFFFE8900  }
0x4c: {  	[hbm4b:s8+s3] =	stream.linear.scatter [tilespmem:s6], [sflag:$0x2], $0x17700, $0x38;
	[tilespmem:$0x17ED0] =	vst v63  }
0x4d: {  	_ =	swait.ge [sflag:s4], $0x17700  }
0x4e: {  	[sflag:s4] =	ssyncset.done $0x0  }
0x4f: {  	[sflag:s4] =	ssyncadd.s32 $0xFFFE8900  }
0x50: {  	[tilespmem:s3], [sflag:$0x2] =	stream.linear.gather [hbm4b:s9+s3], $0x7D0, $0x38;
	[tilespmem:$0x17ED0] =	vst v63  }
0x51: {  	_ =	swait.ge [sflag:s4], $0x7D0  }
0x52: {  	[sflag:s4] =	ssyncset.done $0x0  }
0x53: {  	[sflag:s4] =	ssyncadd.s32 $0xFFFFF830  }
0x54: {  	[tilespmem:s6], [sflag:$0x1] =	stream.indirect.gather [hbm4b:s2+s6], $0x30, s3, s6, $0xb8;
	[tilespmem:$0x17ED0] =	vst v63  }
0x55: {  	_ =	swait.ge [sflag:s7], $0x17700  }
0x56: {  	[sflag:s7] =	ssyncset.done $0x0  }
0x57: {  	[sflag:s7] =	ssyncadd.s32 $0xFFFE8900  }
0x58: {  	[hbm4b:s10+s3] =	stream.linear.scatter [tilespmem:s6], [sflag:$0x2], $0x17700, $0x38;
	[tilespmem:$0x17ED0] =	vst v63  }
0x59: {  	_ =	swait.ge [sflag:s4], $0x17700  }
0x5a: {  	[sflag:s4] =	ssyncset.done $0x0  }
0x5b: {  	[sflag:s4] =	ssyncadd.s32 $0xFFFE8900  }
0x5c: {  	[tilespmem:s3], [sflag:$0x2] =	stream.linear.gather [hbm4b:s11+s3], $0x7D0, $0x38;
	[tilespmem:$0x17ED0] =	vst v63  }
0x5d: {  	_ =	swait.ge [sflag:s4], $0x7D0  }
0x5e: {  	[sflag:s4] =	ssyncset.done $0x0  }
0x5f: {  	[sflag:s4] =	ssyncadd.s32 $0xFFFFF830  }
0x60: {  	[tilespmem:s6], [sflag:$0x1] =	stream.indirect.gather [hbm4b:s2+s6], $0x30, s3, s6, $0xb8;
	[tilespmem:$0x17ED0] =	vst v63  }
0x61: {  	_ =	swait.ge [sflag:s7], $0x17700  }
0x62: {  	[sflag:s7] =	ssyncset.done $0x0  }
0x63: {  	[sflag:s7] =	ssyncadd.s32 $0xFFFE8900  }
0x64: {  	[hbm4b:s12+s3] =	stream.linear.scatter [tilespmem:s6], [sflag:$0x2], $0x17700, $0x38;
	[tilespmem:$0x17ED0] =	vst v63  }
0x65: {  	_ =	swait.ge [sflag:s4], $0x17700  }
0x66: {  	[sflag:s4] =	ssyncset.done $0x0  }
0x67: {  	[sflag:s4] =	ssyncadd.s32 $0xFFFE8900  }
0x68: {  	[tilespmem:s3], [sflag:$0x2] =	stream.linear.gather [hbm4b:s13+s3], $0x7D0, $0x38;
	[tilespmem:$0x17ED0] =	vst v63  }
0x69: {  	_ =	swait.ge [sflag:s4], $0x7D0  }
0x6a: {  	[sflag:s4] =	ssyncset.done $0x0  }
0x6b: {  	[sflag:s4] =	ssyncadd.s32 $0xFFFFF830  }
0x6c: {  	[tilespmem:s6], [sflag:$0x1] =	stream.indirect.gather [hbm4b:s2+s6], $0x30, s3, s6, $0xb8;
	[tilespmem:$0x17ED0] =	vst v63  }
0x6d: {  	_ =	swait.ge [sflag:s7], $0x17700  }
0x6e: {  	[sflag:s7] =	ssyncset.done $0x0  }
0x6f: {  	[sflag:s7] =	ssyncadd.s32 $0xFFFE8900  }
0x70: {  	[hbm4b:s14+s3] =	stream.linear.scatter [tilespmem:s6], [sflag:$0x2], $0x17700, $0x38;
	[tilespmem:$0x17ED0] =	vst v63  }
0x71: {  	_ =	swait.ge [sflag:s4], $0x17700  }
0x72: {  	[sflag:s4] =	ssyncset.done $0x0  }
0x73: {  	[sflag:s4] =	ssyncadd.s32 $0xFFFE8900  }
0x74: {  	[tilespmem:s3], [sflag:$0x2] =	stream.linear.gather [hbm4b:s15+s3], $0x7D0, $0x38;
	[tilespmem:$0x17ED0] =	vst v63  }
0x75: {  	_ =	swait.ge [sflag:s4], $0x7D0  }
0x76: {  	[sflag:s4] =	ssyncset.done $0x0  }
0x77: {  	[sflag:s4] =	ssyncadd.s32 $0xFFFFF830  }
0x78: {  	[tilespmem:s6], [sflag:$0x1] =	stream.indirect.gather [hbm4b:s2+s6], $0x30, s3, s6, $0xb8;
	[tilespmem:$0x17ED0] =	vst v63  }
0x79: {  	_ =	swait.ge [sflag:s7], $0x17700  }
.Ltmp1:
0x7a: {  	[sflag:s7] =	ssyncset.done $0x0;
	(pc) =	sbr.rel @p0 .LBB2_1-.Ltmp1, $4  }
0x7b: {  	[sflag:s7] =	ssyncadd.s32 $0xFFFE8900  }
0x7c: {  	[hbm4b:s16+s3] =	stream.linear.scatter [tilespmem:s6], [sflag:$0x2], $0x17700, $0x38;
	[tilespmem:$0x17ED0] =	vst v63  }
0x7d: {  	_ =	swait.ge [sflag:s4], $0x17700  }
0x7e: {  	[sflag:s4] =	ssyncset.done $0x0  }
.LBB2_2:
0x7f: {  	[sflag:s4] =	ssyncadd.s32 $0xFFFE8900  }
0x80: {  	_ =	sfence.sel $0x180000  }
0x81: {  	[bflag:$0x0] =	sbarrier.arrive $0xFFFF  }
0x82: {  	p0 =	sne.s32 s0, $0x0;
	_ =	strace $0x90000047  }
0x83: {  	s0 =	sadd.s32 @!p0 $0x100000, s1;
	[bflag:$0x2] =	sbarrier.arrive $0xFFFF  }
0x84: {  	[sflag:s0] =	ssyncadd.tile.s32 @!p0 $0x1;
	_ =	shalt  }
.Lfunc_end2:
_tile_overlayer_lowered:
.L_overlay_start_2:
0x85: {  	(tag) =	ssettag $0x2  }
0x86: {  	s0 =	rddreg [dreg:$0x0];
	s2 =	stileid.u32  }
0x87: {  	s1 =	rddreg [dreg:$0x1];
	p0 =	sne.s32 s2, $0x0  }
0x88: {  	s3 =	rddreg [dreg:$0x2];
	[bflag:$0x3] =	sbarrier.arrive $0xFFFF;
	s2 =	simm.s32 @!p0 $0x1C02  }
0x89: {  	[timem:s3], [sflag:s2] =	dma.local @!p0 [hbm:s0], s1  }
0x8a: {  	s0 =	simm.s32 @!p0 $0x2  }
0x8b: {  	_ =	swait.ge @!p0 [sflag:s0], s1  }
0x8c: {  	s1 =	ssub.s32 @!p0 $0x0, s1;
	[sflag:s0] =	ssyncset.done @!p0 $0x0  }
0x8d: {  	[sflag:s0] =	ssyncadd.s32 @!p0 s1  }
0x8e: {  	[bflag:$0x3] =	sbarrier.arrive $0xFFFF  }
0x8f: {  	_ =	shalt  }

</sc_bundles>
